<compile_context>
chip_gen: v7x
topology: tpu7x:2x2x1
jax: 0.10.2.dev20260603
libtpu: 0.0.44.dev20260713+nightly
codegen_flags: <defaults>
</compile_context>

<pallas_src>
import functools
import math

import jax
import jax.numpy as jnp
import numpy as np
from jax import lax
from jax.experimental import pallas as pl
from jax.experimental.pallas import tpu as pltpu
from jax.experimental.pallas import tpu_sc as plsc

_MASK_SIZE = (1, 256, 28, 28)
_N = math.prod(_MASK_SIZE)
_MAX_EPOCH = 500



def _threefry2x32(k1, k2, x0, x1):
    rot_a = (13, 15, 26, 6)
    rot_b = (17, 29, 16, 24)
    k1 = np.uint32(k1)
    k2 = np.uint32(k2)
    ks = (k1, k2, np.uint32(k1 ^ k2 ^ np.uint32(0x1BD11BDA)))
    x0 = (x0 + ks[0]).astype(np.uint32)
    x1 = (x1 + ks[1]).astype(np.uint32)
    inject = ((ks[1], ks[2], 1), (ks[2], ks[0], 2), (ks[0], ks[1], 3),
              (ks[1], ks[2], 4), (ks[2], ks[0], 5))
    rots = (rot_a, rot_b, rot_a, rot_b, rot_a)
    for rset, (ka, kb, i) in zip(rots, inject):
        for r in rset:
            x0 = (x0 + x1).astype(np.uint32)
            x1 = ((x1 << np.uint32(r)) | (x1 >> np.uint32(32 - r))).astype(np.uint32)
            x1 = x0 ^ x1
        x0 = (x0 + ka).astype(np.uint32)
        x1 = (x1 + kb + np.uint32(i)).astype(np.uint32)
    return x0, x1


def _inverse_permutation(seed, n):
    k1, k2 = np.uint32(0), np.uint32(seed)
    x = np.arange(n, dtype=np.int32)
    num_rounds = int(np.ceil(3 * np.log(max(1, n)) / np.log(2**32 - 1)))
    for _ in range(num_rounds):
        b1, b2 = _threefry2x32(k1, k2, np.zeros(2, np.uint32),
                               np.arange(2, dtype=np.uint32))
        (k1, k2), (sk1, sk2) = (b1[0], b2[0]), (b1[1], b2[1])
        s1, s2 = _threefry2x32(sk1, sk2, np.zeros(n, np.uint32),
                               np.arange(n, dtype=np.uint32))
        x = x[np.argsort(s1 ^ s2, kind="stable")]
    return np.argsort(x, kind="stable").astype(np.int32)


_INV_T = np.ascontiguousarray(
    _inverse_permutation(42, _N).reshape(256, 28 * 28).T
).reshape(-1)

_NC = 2
_NS = 16
_NW = _NC * _NS
_L = 16
_CHUNK = _N // _NW
_CPW = 256 // _NW
_HW = 28 * 28


@functools.cache
def _build_mask_sc():
    mesh = plsc.VectorSubcoreMesh(core_axis_name="c", subcore_axis_name="s")

    @functools.partial(
        pl.kernel,
        mesh=mesh,
        out_type=jax.ShapeDtypeStruct((_N,), jnp.float32),
        scratch_types=[
            pltpu.VMEM((_CHUNK,), jnp.int32),
            pltpu.VMEM((_CHUNK,), jnp.float32),
            pltpu.VMEM((_L,), jnp.int32),
            pltpu.SemaphoreType.DMA,
            pltpu.SemaphoreType.DMA,
        ],
    )
    def _mask_sc(inv_hbm, base_hbm, nb_hbm, out_hbm,
                 inv_v, base_v, nb_v, sem_a, sem_b):
        wid = lax.axis_index("s") * _NC + lax.axis_index("c")
        start = wid * _CHUNK
        cp_inv = pltpu.async_copy(inv_hbm.at[pl.ds(start, _CHUNK)], inv_v, sem_a)
        cp_base = pltpu.async_copy(base_hbm.at[pl.ds(start, _CHUNK)], base_v, sem_b)
        pltpu.sync_copy(nb_hbm, nb_v)
        nb = nb_v[...]
        zero = jnp.zeros((_L,), jnp.float32)
        cp_inv.wait()
        cp_base.wait()

        @plsc.parallel_loop(0, _CHUNK, step=_L, unroll=8)
        def _body(off):
            iv = inv_v[pl.ds(off, _L)]
            bv = base_v[pl.ds(off, _L)]
            base_v[pl.ds(off, _L)] = jnp.where(iv < nb, zero, bv)

        pltpu.sync_copy(base_v, out_hbm.at[pl.ds(start, _CHUNK)])

    return _mask_sc


def kernel(base, epoch):
    e = jnp.clip(epoch, 0, _MAX_EPOCH)
    nb_partial = jnp.floor(
        e.astype(jnp.float64) ** 2 * (_N / _MAX_EPOCH**2)
    ).astype(e.dtype)
    num_black = jnp.where(e >= _MAX_EPOCH, _N, nb_partial)
    num_black = jnp.clip(num_black, 0, _N).astype(jnp.int32)
    nb_vec = jnp.full((_L,), num_black, dtype=jnp.int32)
    base_t = base.reshape(256, _HW).T.reshape(-1)
    out_t = _build_mask_sc()(jnp.asarray(_INV_T), base_t, nb_vec)
    return out_t.reshape(28, 28, 1, 256).transpose(2, 3, 0, 1)

# --- scband reference (transcript-rebuilt; emitter-appended) ---
"""Pipeline reference for scband-model-2551210574561 (READ-ONLY COPY).

The authoritative reference and input builder live on the scoring server;
editing this copy changes nothing except your own understanding.
"""

import jax, jax.numpy as jnp
import numpy as np
import math

MASK_SIZE = (1, 256, 28, 28)
MAX_EPOCH = 500


def setup_inputs() -> dict:
    N = math.prod(MASK_SIZE)
    base = jnp.ones((N,), dtype=jnp.float32)
    return {"base": base, "epoch": 250}


def reference(base, epoch):
    N = math.prod(MASK_SIZE)
    e = jnp.clip(epoch, 0, MAX_EPOCH)
    nb_partial = jnp.floor(
        e.astype(jnp.float64) ** 2 * (N / MAX_EPOCH ** 2)
    ).astype(e.dtype)
    num_black = jnp.where(e >= MAX_EPOCH, N, nb_partial)
    num_black = jnp.clip(num_black, 0, N)
    perm = jax.random.permutation(jax.random.key(42), N)
    inv = jnp.argsort(perm)
    mask = jnp.where(inv < num_black, jnp.zeros_like(base), base)
    return mask.reshape(MASK_SIZE)

if __name__ == "__main__":
    import jax
    _d = setup_inputs()
    print(jax.jit(kernel)(*tuple(_d.values())))

</pallas_src>

<mosaic_0001>
#map = affine_map<(d0, d1) -> (0)>
module attributes {stable_mosaic.version = 14 : i64} {
  func.func @_mask_sc(%arg0: i32, %arg1: i32, %arg2: memref<200704xi32, #tpu.memory_space<hbm>>, %arg3: memref<200704xf32, #tpu.memory_space<hbm>>, %arg4: memref<16xi32, #tpu.memory_space<hbm>>, %arg5: memref<200704xf32, #tpu.memory_space<hbm>>, %arg6: memref<6272xi32, #tpu.memory_space<vmem>>, %arg7: memref<6272xf32, #tpu.memory_space<vmem>>, %arg8: memref<16xi32, #tpu.memory_space<vmem>>, %arg9: memref<!tpu.dma_semaphore, #tpu.memory_space<semaphore_mem>>, %arg10: memref<!tpu.dma_semaphore, #tpu.memory_space<semaphore_mem>>) attributes {dimension_semantics = [#tpu.dimension_semantics<core_parallel>, #tpu.dimension_semantics<subcore_parallel>], iteration_bounds = array<i64: 2, 16>, scalar_prefetch = 0 : i64, scratch_operands = 5 : i64, tpu.core_type = #tpu.core_type<sc_vector_subcore>, window_params = [{transform_indices = #map}, {transform_indices = #map}, {transform_indices = #map}, {transform_indices = #map}]} {
    %mul3A = arith.constant 2 : i32
    %mul3A_0 = arith.muli %arg1, %mul3A : i32
    %add3A = arith.addi %mul3A_0, %arg0 : i32
    %mul3A_1 = arith.constant 6272 : i32
    %mul3A_2 = arith.muli %add3A, %mul3A_1 : i32
    %dma_start3A = tpu.memref_slice %arg2[%mul3A_2] : memref<200704xi32, #tpu.memory_space<hbm>> -> memref<6272xi32, #tpu.memory_space<hbm>>
    %dma_start3A_3 = tpu.memref_slice %arg2[%mul3A_2] : memref<200704xi32, #tpu.memory_space<hbm>> -> memref<6272xi32, #tpu.memory_space<hbm>>
    tpu.enqueue_dma source(%dma_start3A_3 : memref<6272xi32, #tpu.memory_space<hbm>>) target(%arg6 : memref<6272xi32, #tpu.memory_space<vmem>>) target_semaphore(%arg9 : memref<!tpu.dma_semaphore, #tpu.memory_space<semaphore_mem>>)
    %dma_start3A_4 = tpu.memref_slice %arg3[%mul3A_2] : memref<200704xf32, #tpu.memory_space<hbm>> -> memref<6272xf32, #tpu.memory_space<hbm>>
    %dma_start3A_5 = tpu.memref_slice %arg3[%mul3A_2] : memref<200704xf32, #tpu.memory_space<hbm>> -> memref<6272xf32, #tpu.memory_space<hbm>>
    tpu.enqueue_dma source(%dma_start3A_5 : memref<6272xf32, #tpu.memory_space<hbm>>) target(%arg7 : memref<6272xf32, #tpu.memory_space<vmem>>) target_semaphore(%arg10 : memref<!tpu.dma_semaphore, #tpu.memory_space<semaphore_mem>>)
    "tpu.region"() ({
      %run_scoped3A = tpu.sem_alloc : memref<!tpu.dma_semaphore, #tpu.memory_space<semaphore_mem>>
      tpu.enqueue_dma source(%arg4 : memref<16xi32, #tpu.memory_space<hbm>>) target(%arg8 : memref<16xi32, #tpu.memory_space<vmem>>) target_semaphore(%run_scoped3A : memref<!tpu.dma_semaphore, #tpu.memory_space<semaphore_mem>>)
      tpu.wait_dma2 semaphore(%run_scoped3A : memref<!tpu.dma_semaphore, #tpu.memory_space<semaphore_mem>>) src(%arg4 : memref<16xi32, #tpu.memory_space<hbm>>) dst(%arg8 : memref<16xi32, #tpu.memory_space<vmem>>)
      tpu.yield
    }) : () -> ()
    %get3A = arith.constant 0 : index
    %get3A_6 = tpu.vector_load %arg8[%get3A] {strides = array<i32>} : memref<16xi32, #tpu.memory_space<vmem>>, vector<16xi32>,
    %get3A_7 = vector.shape_cast %get3A_6 : vector<16xi32> to vector<16xi32>
    %broadcast_in_dim3A = arith.constant 0.000000e+00 : f32
    %broadcast_in_dim3A_8 = vector.broadcast %broadcast_in_dim3A : f32 to vector<16xf32>
    %dma_wait3A = tpu.memref_slice %arg2[%mul3A_2] : memref<200704xi32, #tpu.memory_space<hbm>> -> memref<6272xi32, #tpu.memory_space<hbm>>
    %dma_wait3A_9 = tpu.memref_slice %arg2[%mul3A_2] : memref<200704xi32, #tpu.memory_space<hbm>> -> memref<6272xi32, #tpu.memory_space<hbm>>
    tpu.wait_dma2 semaphore(%arg9 : memref<!tpu.dma_semaphore, #tpu.memory_space<semaphore_mem>>) src(%dma_wait3A_9 : memref<6272xi32, #tpu.memory_space<hbm>>) dst(%arg6 : memref<6272xi32, #tpu.memory_space<vmem>>)
    %dma_wait3A_10 = tpu.memref_slice %arg3[%mul3A_2] : memref<200704xf32, #tpu.memory_space<hbm>> -> memref<6272xf32, #tpu.memory_space<hbm>>
    %dma_wait3A_11 = tpu.memref_slice %arg3[%mul3A_2] : memref<200704xf32, #tpu.memory_space<hbm>> -> memref<6272xf32, #tpu.memory_space<hbm>>
    tpu.wait_dma2 semaphore(%arg10 : memref<!tpu.dma_semaphore, #tpu.memory_space<semaphore_mem>>) src(%dma_wait3A_11 : memref<6272xf32, #tpu.memory_space<hbm>>) dst(%arg7 : memref<6272xf32, #tpu.memory_space<vmem>>)
    %parallel_loop3A = arith.constant 0 : i32
    %parallel_loop3A_12 = arith.constant 6272 : i32
    %parallel_loop3A_13 = arith.constant 16 : i32
    scf.for %parallel_loop3A_14 = %parallel_loop3A to %parallel_loop3A_12 step %parallel_loop3A_13  : i32 {
      %parallel_loop3A_15 = arith.index_cast %parallel_loop3A_14 : i32 to index
      %parallel_loop3A_16 = tpu.vector_load %arg6[%parallel_loop3A_15] {strides = array<i32>} : memref<6272xi32, #tpu.memory_space<vmem>>, vector<16xi32>,
      %parallel_loop3A_17 = vector.shape_cast %parallel_loop3A_16 : vector<16xi32> to vector<16xi32>
      %parallel_loop3A_18 = arith.index_cast %parallel_loop3A_14 : i32 to index
      %parallel_loop3A_19 = tpu.vector_load %arg7[%parallel_loop3A_18] {strides = array<i32>} : memref<6272xf32, #tpu.memory_space<vmem>>, vector<16xf32>,
      %parallel_loop3A_20 = vector.shape_cast %parallel_loop3A_19 : vector<16xf32> to vector<16xf32>
      %parallel_loop3A_21 = arith.cmpi slt, %parallel_loop3A_17, %get3A_7 : vector<16xi32>
      %parallel_loop3A_22 = arith.select %parallel_loop3A_21, %broadcast_in_dim3A_8, %parallel_loop3A_20 : vector<16xi1>, vector<16xf32>
      %parallel_loop3A_23 = arith.index_cast %parallel_loop3A_14 : i32 to index
      %parallel_loop3A_24 = tpu.vector_load %arg7[%parallel_loop3A_23] {strides = array<i32>} : memref<6272xf32, #tpu.memory_space<vmem>>, vector<16xf32>,
      %parallel_loop3A_25 = vector.shape_cast %parallel_loop3A_24 : vector<16xf32> to vector<16xf32>
      %parallel_loop3A_26 = vector.shape_cast %parallel_loop3A_22 : vector<16xf32> to vector<16xf32>
      tpu.vector_store %arg7[%parallel_loop3A_23], %parallel_loop3A_26 {strides = array<i32>} : memref<6272xf32, #tpu.memory_space<vmem>>, vector<16xf32>,
    } {sc.loop_unroll_factor = 8 : i64, sc.parallel_access}
    "tpu.region"() ({
      %run_scoped3A = tpu.sem_alloc : memref<!tpu.dma_semaphore, #tpu.memory_space<semaphore_mem>>
      %dma_start3A_14 = tpu.memref_slice %arg5[%mul3A_2] : memref<200704xf32, #tpu.memory_space<hbm>> -> memref<6272xf32, #tpu.memory_space<hbm>>
      %dma_start3A_15 = tpu.memref_slice %arg5[%mul3A_2] : memref<200704xf32, #tpu.memory_space<hbm>> -> memref<6272xf32, #tpu.memory_space<hbm>>
      tpu.enqueue_dma source(%arg7 : memref<6272xf32, #tpu.memory_space<vmem>>) target(%dma_start3A_15 : memref<6272xf32, #tpu.memory_space<hbm>>) target_semaphore(%run_scoped3A : memref<!tpu.dma_semaphore, #tpu.memory_space<semaphore_mem>>)
      %dma_wait3A_16 = tpu.memref_slice %arg5[%mul3A_2] : memref<200704xf32, #tpu.memory_space<hbm>> -> memref<6272xf32, #tpu.memory_space<hbm>>
      %dma_wait3A_17 = tpu.memref_slice %arg5[%mul3A_2] : memref<200704xf32, #tpu.memory_space<hbm>> -> memref<6272xf32, #tpu.memory_space<hbm>>
      tpu.wait_dma2 semaphore(%run_scoped3A : memref<!tpu.dma_semaphore, #tpu.memory_space<semaphore_mem>>) src(%arg7 : memref<6272xf32, #tpu.memory_space<vmem>>) dst(%dma_wait3A_17 : memref<6272xf32, #tpu.memory_space<hbm>>)
      tpu.yield
    }) : () -> ()
    return
  }
}

</mosaic_0001>

<sc_bundles>
// kernel: kernel.3.cloned.1.call-start
scs
__scs_entry_jumppad:
0x0: {  	(pc) =	sbr.rel $0x88, $3  }
0x1: {  	(tag) =	ssettag $0x0;
	lr =	simm.s32 $0x1  }
0x2: {  	[smem:$0x3F9F] =	sst lr;
	_ =	strace $0xD0000000  }
0x3: {  	_ = 	snop  }
0x4: {  	_ = 	snop  }
0x5: {  	_ = 	snop  }
0x6: {  	_ = 	snop  }
0x7: {  	_ = 	snop  }
__scs_overlays_trampoline_lowered:
0x8: {  	[smem:$0x3FAE] =	sst s0  }
0x9: {  	[smem:$0x3FAF] =	sst s1  }
0xa: {  	[smem:$0x3FB0] =	sst s2  }
0xb: {  	[smem:$0x3FB1] =	sst s3  }
0xc: {  	[smem:$0x3FB2] =	sst s4  }
0xd: {  	[smem:$0x3FB3] =	sst s5  }
0xe: {  	[smem:$0x3FB4] =	sst s6  }
0xf: {  	[smem:$0x3FB5] =	sst s7  }
0x10: {  	[smem:$0x3FB6] =	sst s8  }
0x11: {  	[smem:$0x3FB7] =	sst s9;
	s0 =	simm.s32 @!p0 $0x0  }
0x12: {  	s1 =	sld [smem:$0x3F9D];
	s0 =	simm.s32 @p0 $0x1  }
0x13: {  	[smem:$0x3FB8] =	sst s0;
	s0 =	simm.s32 @!p1 $0x0  }
0x14: {  	s2 =	sld [smem:$0x3F9C];
	s0 =	simm.s32 @p1 $0x1  }
0x15: {  	[smem:$0x3FB9] =	sst s0;
	s0 =	simm.s32 @!p2 $0x0  }
0x16: {  	s3 =	sld [smem:$0x3FDB];
	s0 =	simm.s32 @p2 $0x1  }
0x17: {  	s4 =	simm.s32 $0x1BF5;
	[smem:$0x3FBB] =	sst s0  }
0x18: {  	s0 =	sld [smem:$0x3F9E];
	_ =	swait.ge [sflag:s4], $0x0  }
0x19: {  	s7 =	sld [smem:$0x3F9F]  }
0x1a: {  	s8 =	sadd.s32 $0xFFFFE003, lr  }
0x1b: {  	s9 =	sadd.s32 $0xFFFFFEF7, lr;
	s5 =	simm.s32 $0xFFFFFFFF;
	p2 =	slt.u32 s8, $0xFFFFF086  }
0x1c: {  	p1 =	slt.u32 s9, $0xF7A;
	s5 =	simm.s32 @!p2 $0x0  }
0x1d: {  	s5 =	simm.s32 @p1 $0x1;
	p0 =	seq.s32 s7, s2  }
0x1e: {  	s7 =	smul.u32 @!p0 $0xF7A, s2;
	p2 =	seq.s32 @!p0 s5, $0x0  }
0x1f: {  	s9 =	smul.u32 $0xF7A, s1;
	s8 =	simm.s32 @!p0 $0x1BF5;
	p2 =	por !p2, p0  }
0x20: {  	[sflag:s8] =	ssyncset.s32 @!p0 $0xFFFFF086;
	s6 =	sadd.s32 @!p0 s3, s7;
	s7 =	simm.s32 @!p0 $0x108  }
0x21: {  	s3 =	sadd.s32 s3, s9;
	s6 =	sadd.s32 @!p0 $0x88, s6;
	s7 =	simm.s32 @p2 $0x1082  }
0x22: {  	[simem:s7], [sflag:s8] =	dma.local @!p0 [hbm:s6], $0xF7A  }
0x23: {  	s9 =	sor.u32 $0xD0000000, s2;
	s6 =	simm.s32 $0x108;
	_ =	swait.ge @!p0 [sflag:s8], $0x0  }
0x24: {  	s3 =	sadd.s32 $0x88, s3;
	s6 =	simm.s32 @!p1 $0x1082;
	[sflag:s4] =	ssyncset.s32 $0xFFFFF086  }
0x25: {  	[simem:s6], [sflag:s4] =	dma.local [hbm:s3], $0xF7A  }
0x26: {  	[smem:$0x3F9F] =	sst s1;
	(tag) =	ssettag s2;
	_ =	strace s9  }
0x27: {  	s1 =	sld [smem:$0x3FAF]  }
0x28: {  	s2 =	sld [smem:$0x3FB0]  }
0x29: {  	s4 =	sld [smem:$0x3FB2]  }
0x2a: {  	p0 =	seq.s32 s5, $0x0;
	s5 =	sld [smem:$0x3FB3]  }
0x2b: {  	s6 =	sld [smem:$0x3FB4]  }
0x2c: {  	s7 =	sld [smem:$0x3FB5]  }
0x2d: {  	s3 =	simm.s32 $0x108;
	s8 =	sld [smem:$0x3FB6]  }
0x2e: {  	s3 =	simm.s32 @!p0 $0x1082;
	s9 =	sld [smem:$0x3FB7]  }
0x2f: {  	lr =	sadd.s32 s0, s3;
	s0 =	sld [smem:$0x3FAE]  }
0x30: {  	s3 =	sld [smem:$0x3FB1]  }
0x31: {  	[smem:$0x3FBA] =	sst s10  }
0x32: {  	s10 =	sld [smem:$0x3FB8];
	_ =	sdelay $0x3  }
0x33: {  	p0 =	seq.s32 s10, $0x1;
	s10 =	sld [smem:$0x3FBA];
	_ =	sdelay $0x3  }
0x34: {  	[smem:$0x3FBA] =	sst s10  }
0x35: {  	s10 =	sld [smem:$0x3FB9];
	_ =	sdelay $0x3  }
0x36: {  	p1 =	seq.s32 s10, $0x1;
	s10 =	sld [smem:$0x3FBA];
	_ =	sdelay $0x3  }
0x37: {  	[smem:$0x3FBA] =	sst s10  }
0x38: {  	s10 =	sld [smem:$0x3FBB]  }
0x39: {  	_ = 	snop;
	(pc) =	sbr.ind lr, $3  }
0x3a: {  	_ = 	snop  }
0x3b: {  	_ = 	snop  }
0x3c: {  	p2 =	seq.s32 s10, $0x1;
	s10 =	sld [smem:$0x3FBA]  }
0x3d: {  	_ =	shalt  }
0x3e: {  	_ =	shalt  }
0x3f: {  	_ =	shalt  }
0x40: {  	_ =	shalt  }
0x41: {  	_ =	shalt  }
0x42: {  	_ =	shalt  }
0x43: {  	_ =	shalt  }
0x44: {  	_ =	shalt  }
0x45: {  	_ =	shalt  }
0x46: {  	_ =	shalt  }
0x47: {  	_ =	shalt  }
0x48: {  	_ =	shalt  }
0x49: {  	_ =	shalt  }
0x4a: {  	_ =	shalt  }
0x4b: {  	_ =	shalt  }
0x4c: {  	_ =	shalt  }
0x4d: {  	_ =	shalt  }
0x4e: {  	_ =	shalt  }
0x4f: {  	_ =	shalt  }
0x50: {  	_ =	shalt  }
0x51: {  	_ =	shalt  }
0x52: {  	_ =	shalt  }
0x53: {  	_ =	shalt  }
0x54: {  	_ =	shalt  }
0x55: {  	_ =	shalt  }
0x56: {  	_ =	shalt  }
0x57: {  	_ =	shalt  }
0x58: {  	_ =	shalt  }
0x59: {  	_ =	shalt  }
0x5a: {  	_ =	shalt  }
0x5b: {  	_ =	shalt  }
0x5c: {  	_ =	shalt  }
0x5d: {  	_ =	shalt  }
0x5e: {  	_ =	shalt  }
0x5f: {  	_ =	shalt  }
0x60: {  	_ =	shalt  }
0x61: {  	_ =	shalt  }
0x62: {  	_ =	shalt  }
0x63: {  	_ =	shalt  }
0x64: {  	_ =	shalt  }
0x65: {  	_ =	shalt  }
0x66: {  	_ =	shalt  }
0x67: {  	_ =	shalt  }
0x68: {  	_ =	shalt  }
0x69: {  	_ =	shalt  }
0x6a: {  	_ =	shalt  }
0x6b: {  	_ =	shalt  }
0x6c: {  	_ =	shalt  }
0x6d: {  	_ =	shalt  }
0x6e: {  	_ =	shalt  }
0x6f: {  	_ =	shalt  }
0x70: {  	_ =	shalt  }
0x71: {  	_ =	shalt  }
0x72: {  	_ =	shalt  }
0x73: {  	_ =	shalt  }
0x74: {  	_ =	shalt  }
0x75: {  	_ =	shalt  }
0x76: {  	_ =	shalt  }
0x77: {  	_ =	shalt  }
0x78: {  	_ =	shalt  }
0x79: {  	_ =	shalt  }
0x7a: {  	_ =	shalt  }
0x7b: {  	_ =	shalt  }
0x7c: {  	_ =	shalt  }
0x7d: {  	_ =	shalt  }
0x7e: {  	_ =	shalt  }
0x7f: {  	_ =	shalt  }
0x80: {  	_ =	shalt  }
0x81: {  	_ =	shalt  }
0x82: {  	_ =	shalt  }
0x83: {  	_ =	shalt  }
0x84: {  	_ =	shalt  }
0x85: {  	_ =	shalt  }
0x86: {  	_ =	shalt  }
0x87: {  	_ =	shalt  }
.Lfunc_end0:
.L_simem_size_0:
called_computation_lowered:
.L_overlay_start_0:
0x88: {  	s2 =	sld [smem:$0x3FD9]  }
0x89: {  	s3 =	sld [smem:$0x3FFE];
	_ =	sdelay $0x1  }
0x8a: {  	s1 =	srdreg.scid  }
0x8b: {  	s0 =	sand.u32 $0x1, s1  }
0x8c: {  	s17 =	sshll.u32 s0, $0xA;
	s2 =	sadd.s32 s3, s2  }
0x8d: {  	s2 =	sadd.s32 s2, s17  }
0x8e: {  	[smem:$0x3FC6] =	sst s2  }
0x8f: {  	_ = 	snop  }
0x90: {  	s2 =	sld [smem:$0x3FD0];
	(tm) =	ssettm $0x1  }
0x91: {  	s18 =	sld [smem:$0x3FFB];
	_ =	sdelay $0x3  }
0x92: {  	_ =	strace s18  }
0x93: {  	s3 =	sld [smem:$0x3FFC];
	_ =	sdelay $0x3  }
0x94: {  	_ =	strace s3  }
0x95: {  	s3 =	sld [smem:$0x3FFD];
	_ =	sdelay $0x3  }
0x96: {  	_ =	strace s3  }
0x97: {  	_ =	strace $0x8FFFFFFF  }
0x98: {  	s19 =	sld [smem:$0x3FDB];
	_ =	sdelay $0x1  }
0x99: {  	s4 =	simm.s32 $_scs_section_size  }
0x9a: {  	s5 =	simm.s32 $_size__tile_overlayer_lowered;
	s6 =	simm.s32 $_tile_overlayer_lowered  }
0x9b: {  	s22 =	simm.s32 $0x1BFF;
	s21 =	sshll.u32 s6, $0x1;
	s3 =	sadd.s32 s4, s19  }
0x9c: {  	s7 =	simm.s32 $0x0;
	s20 =	sshll.u32 s5, $0x1;
	s5 =	sadd.s32 s21, s3  }
0x9d: {  	[timem:s7], [sflag:s22] =	dma.local [hbm:s5], s20  }
0x9e: {  	_ =	swait.ge [sflag:s22], s20  }
0x9f: {  	s4 =	ssub.s32 $0x0, s20;
	[sflag:s22] =	ssyncset.done $0x0  }
0xa0: {  	[sflag:s22] =	ssyncadd.s32 s4;
	_ =	sdelay $0x1  }
0xa1: {  	s23 =	simm.s32 $0x1B8B  }
0xa2: {  	_ =	swait.ge [sflag:s23], $0x1  }
0xa3: {  	[sflag:s23] =	ssyncset.done $0x0  }
0xa4: {  	s25 =	simm.s32 $0x1B8E;
	s24 =	sld [smem:$0x3FFE];
	[sflag:s23] =	ssyncadd.s32 $0xFFFFFFFF  }
0xa5: {  	s26 =	simm.s32 $execute0_lowered;
	[smem:$0x3FD2] =	sst s25  }
0xa6: {  	s5 =	sshll.u32 s26, $0x1;
	_ =	strace $0x80000046;
	[dreg:$0x1] =	wrdreg $0xFFFFFFFF  }
0xa7: {  	s28 =	simm.s32 $_size_execute0_lowered;
	s3 =	sadd.s32 s3, s5;
	[dreg:$0x0] =	wrdreg $0x0  }
0xa8: {  	s5 =	sshll.u32 s28, $0x1;
	[dreg:$0x2] =	wrdreg s3  }
0xa9: {  	[dreg:$0x3] =	wrdreg s5  }
0xaa: {  	[dreg:$0x4] =	wrdreg $0xC0  }
0xab: {  	_ =	task [dreg:s7], $0x5FFFF  }
0xac: {  	[dreg:$0x1] =	wrdreg $0xFFFFFFFF  }
0xad: {  	[dreg:$0x0] =	wrdreg $0x60  }
0xae: {  	[dreg:$0x2] =	wrdreg s24  }
0xaf: {  	[dreg:$0x3] =	wrdreg s2  }
0xb0: {  	[dreg:$0x4] =	wrdreg $0x9  }
0xb1: {  	_ =	task.clear_ibuf [dreg:s7], $0x5FFFF;
	_ =	strace $0x90000046  }
0xb2: {  	s29 =	simm.s32 $0x9;
	_ =	strace $0x80000048  }
0xb3: {  	_ =	swait.ge [sflag:s29], $0x1  }
0xb4: {  	[sflag:s29] =	ssyncadd.s32 $0xFFFFFFFF  }
0xb5: {  	_ =	strace $0x90000048  }
0xb6: {  	_ =	sfence  }
0xb7: {  	s30 =	sld [smem:$0x0];
	_ =	sdelay $0x2  }
0xb8: {  	s31 =	sshll.u32 s1, $0xD;
	s1 =	sshrl.u32 s1, $0x2  }
0xb9: {  	s3 =	sand.u32 $0x4000, s31;
	s1 =	sadd.s32 s1, s30  }
0xba: {  	s0 =	sor.u32 s3, s0;
	s1 =	sshll.u32 s1, $0x11  }
0xbb: {  	s0 =	sor.u32 s1, s0  }
0xbc: {  	s0 =	sadd.s32 $0x8F2B, s0  }
0xbd: {  	[sflag:s0] =	ssyncadd.remote.s32 $0x1  }
0xbe: {  	_ =	sfence.sel $0xFFFF  }
0xbf: {  	[dreg:$0x0] =	wrdreg $0xFFFFFFFF;
	(pc) =	sbr.abs _section_cstart, $3  }
0xc0: {  	[dreg:$0x1] =	wrdreg $0xFFFFFFFF  }
0xc1: {  	_ =	task.clear_ibuf [dreg:s7], $0x2FFFF;
	_ =	strace $0x9FFFFFFF  }
0xc2: {  	(tm) =	ssettm $0x7FFFFFFF  }
0xc3: {  	_ =	shalt  }
tec
execute0_lowered:
.L_overlay_start_1:
0x0: {  	(tag) =	ssettag $0x1  }
0x1: {  	s1 =	srdreg.scid  }
0x2: {  	s0 =	stileid.u32;
	s3 =	rddreg [dreg:$0x0]  }
0x3: {  	s6 =	rddreg [dreg:$0x1];
	s2 =	simm.s32 $0x0;
	s9 =	simm.s32 $0x3100  }
0x4: {  	s10 =	simm.s32 $0x3;
	s4 =	sand.u32 $0x1, s1;
	s31 =	sshll.u32 s0, $0x1  }
0x5: {  	s11 =	simm.s32 $0x1;
	s12 =	simm.s32 $0x2;
	s5 =	sor.u32 s4, s31  }
0x6: {  	s1 =	rddreg [dreg:$0x2];
	s4 =	ssub.s32 $0x2, s4;
	s7 =	smul.u32 $0x310, s5  }
0x7: {  	s13 =	simm.s32 $0x0;
	[smem:$0x7FF] =	sst s2;
	s8 =	sshrl.u32 s4, $0x1  }
0x8: {  	_ =	strace $0x80000047;
	s8 =	ssub.s32 s4, s8;
	s5 =	sadd.s32 s7, s3  }
0x9: {  	s3 =	sadd.s32 $0x6800, s3;
	s6 =	sadd.s32 s6, s7;
	s7 =	smax.u32 s8, $0x1  }
0xa: {  	s8 =	simm.s32 $0x1880;
	s4 =	sadd.s32 $0x6A00, s5;
	s5 =	sadd.s32 $0x600, s5  }
.LBB2_1:
0xb: {  	[tilespmem:s2], [sflag:$0x1] =	stream.linear.gather [hbm4b:s4+s2], $0x1880, $0x38;
	[tilespmem:$0x3180] =	vst v63  }
0xc: {  	_ = 	snop  }
0xd: {  	[tilespmem:s8], [sflag:$0x2] =	stream.linear.gather [hbm4b:s5+s2], $0x1880, $0x38;
	[tilespmem:$0x3180] =	vst v63  }
0xe: {  	_ = 	snop  }
0xf: {  	[tilespmem:s9], [sflag:$0x3] =	stream.linear.gather [hbm4b:s3+s2], $0x80, $0x38;
	[tilespmem:$0x3180] =	vst v63  }
0x10: {  	_ =	swait.ge [sflag:s10], $0x80  }
0x11: {  	[sflag:s10] =	ssyncset.done $0x0  }
0x12: {  	[sflag:s10] =	ssyncadd.s32 $0xFFFFFF80  }
0x13: {  	v0 =	vld [tilespmem:$0x3100];
	_ =	swait.ge [sflag:s11], $0x1880  }
0x14: {  	[sflag:s11] =	ssyncset.done $0x0  }
0x15: {  	[sflag:s11] =	ssyncadd.s32 $0xFFFFE780  }
0x16: {  	_ =	swait.ge [sflag:s12], $0x1880  }
0x17: {  	[sflag:s12] =	ssyncset.done $0x0  }
0x18: {  	s15 =	simm.s32 $0x40;
	[sflag:s12] =	ssyncadd.s32 $0xFFFFE780  }
0x19: {  	s14 =	simm.s32 $0x18C0;
	v1 =	vld [tilespmem:s15+$0x30]  }
0x1a: {  	v3 =	vld [tilespmem:s14+$0x30]  }
0x1b: {  	v4 =	vld [tilespmem:s15+$0xFFFFFFD0]  }
0x1c: {  	v5 =	vld [tilespmem:s15+$0xFFFFFFE0]  }
0x1d: {  	v6 =	vld [tilespmem:s15+$0xFFFFFFF0]  }
0x1e: {  	v7 =	vld [tilespmem:s15+$0x0]  }
0x1f: {  	v8 =	vld [tilespmem:s15+$0x10]  }
0x20: {  	v9 =	vld [tilespmem:s15+$0x20]  }
0x21: {  	v10 =	vld [tilespmem:s15+$0xFFFFFFC0]  }
0x22: {  	v11 =	vld [tilespmem:s14+$0xFFFFFFC0]  }
0x23: {  	v12 =	vld [tilespmem:s14+$0xFFFFFFD0]  }
0x24: {  	v2 =	vld [tilespmem:s14+$0xFFFFFFE0]  }
0x25: {  	vm0 =	vlt.s32 v1, v0;
	vm5 =	vlt.s32 v4, v0;
	v1 =	vld [tilespmem:s14+$0xFFFFFFF0]  }
0x26: {  	vm3 =	vlt.s32 v5, v0;
	v4 =	vsel vm0, $0x0, v3;
	vm0 =	vlt.s32 v10, v0;
	v3 =	vld [tilespmem:s14+$0x0]  }
0x27: {  	vm4 =	vlt.s32 v6, v0;
	vm1 =	vlt.s32 v7, v0;
	[tilespmem:s14+$0x30] =	vst v4;
	v5 =	vsel vm0, $0x0, v11;
	v4 =	vld [tilespmem:s14+$0x10]  }
0x28: {  	s16 =	simm.s32 $0xC0;
	s17 =	simm.s32 $0x18C0;
	s15 =	simm.s32 $0x0;
	vm2 =	vlt.s32 v8, v0;
	v6 =	vsel vm5, $0x0, v12;
	vm0 =	vlt.s32 v9, v0;
	[tilespmem:s14+$0xFFFFFFC0] =	vst v5;
	v5 =	vld [tilespmem:s14+$0x20]  }
.LBB2_2:
0x29: {  	v7 =	vld [tilespmem:s16+$0x30];
	s15 =	sadd.s32 $0x80, s15;
	[tilespmem:s14+$0xFFFFFFD0] =	vst v6;
	v2 =	vsel vm3, $0x0, v2;
	s17 =	sadd.s32 $0x80, s17  }
0x2a: {  	v6 =	vld [tilespmem:s17+$0x30];
	p0 =	slt.u32 s15, $0x1800;
	[tilespmem:s14+$0xFFFFFFE0] =	vst v2;
	v1 =	vsel vm4, $0x0, v1  }
0x2b: {  	v2 =	vld [tilespmem:s16+$0xFFFFFFD0];
	[tilespmem:s14+$0xFFFFFFF0] =	vst v1;
	v1 =	vsel vm1, $0x0, v3  }
0x2c: {  	v3 =	vld [tilespmem:s16+$0xFFFFFFE0];
	[tilespmem:s14+$0x0] =	vst v1;
	v1 =	vsel vm2, $0x0, v4  }
0x2d: {  	v4 =	vld [tilespmem:s16+$0xFFFFFFF0];
	[tilespmem:s14+$0x10] =	vst v1;
	v1 =	vsel vm0, $0x0, v5  }
0x2e: {  	v5 =	vld [tilespmem:s16+$0x0];
	vm0 =	vlt.s32 v7, v0;
	[tilespmem:s14+$0x20] =	vst v1;
	s14 =	smov.u32 s17  }
0x2f: {  	v1 =	vld [tilespmem:s16+$0x10];
	v6 =	vsel vm0, $0x0, v6  }
0x30: {  	vm5 =	vlt.s32 v2, v0;
	v7 =	vld [tilespmem:s16+$0x20];
	[tilespmem:s17+$0x30] =	vst v6  }
0x31: {  	v6 =	vld [tilespmem:s16+$0xFFFFFFC0];
	vm3 =	vlt.s32 v3, v0  }
0x32: {  	v8 =	vld [tilespmem:s17+$0xFFFFFFC0];
	vm4 =	vlt.s32 v4, v0  }
0x33: {  	v9 =	vld [tilespmem:s17+$0xFFFFFFD0];
	vm1 =	vlt.s32 v5, v0  }
.Ltmp0:
0x34: {  	v2 =	vld [tilespmem:s17+$0xFFFFFFE0];
	vm2 =	vlt.s32 v1, v0;
	(pc) =	sbr.rel @p0 .LBB2_2-.Ltmp0, $4  }
0x35: {  	v1 =	vld [tilespmem:s17+$0xFFFFFFF0];
	vm0 =	vlt.s32 v7, v0  }
0x36: {  	vm6 =	vlt.s32 v6, v0;
	v3 =	vld [tilespmem:s17+$0x0]  }
0x37: {  	v5 =	vsel vm6, $0x0, v8;
	v4 =	vld [tilespmem:s17+$0x10]  }
0x38: {  	s16 =	sadd.s32 $0x80, s16;
	[tilespmem:s17+$0xFFFFFFC0] =	vst v5;
	v6 =	vsel vm5, $0x0, v9;
	v5 =	vld [tilespmem:s17+$0x20]  }
0x39: {  	[tilespmem:s14+$0xFFFFFFD0] =	vst v6;
	v0 =	vsel vm3, $0x0, v2  }
0x3a: {  	[tilespmem:s14+$0xFFFFFFE0] =	vst v0;
	v60 =	vsel vm4, $0x0, v1  }
0x3b: {  	[tilespmem:s14+$0xFFFFFFF0] =	vst v60;
	v61 =	vsel vm1, $0x0, v3  }
0x3c: {  	s13 =	sadd.s32 $0x1, s13;
	[tilespmem:s14+$0x0] =	vst v61;
	v62 =	vsel vm2, $0x0, v4  }
0x3d: {  	p0 =	sne.s32 s13, s7;
	[tilespmem:s14+$0x10] =	vst v62;
	v63 =	vsel vm0, $0x0, v5  }
.Ltmp1:
0x3e: {  	[tilespmem:s14+$0x20] =	vst v63;
	(pc) =	sbr.rel @p0 .LBB2_1-.Ltmp1, $4  }
0x3f: {  	[hbm4b:s6+s2] =	stream.linear.scatter [tilespmem:s8], [sflag:$0x3], $0x1880, $0x38;
	[tilespmem:$0x3180] =	vst v63  }
0x40: {  	_ =	swait.ge [sflag:s10], $0x1880  }
0x41: {  	[sflag:s10] =	ssyncset.done $0x0  }
0x42: {  	[sflag:s10] =	ssyncadd.s32 $0xFFFFE780  }
0x43: {  	_ =	sfence.sel $0x180000  }
0x44: {  	[bflag:$0x0] =	sbarrier.arrive $0xFFFF  }
0x45: {  	p0 =	sne.s32 s0, $0x0;
	_ =	strace $0x90000047  }
0x46: {  	s0 =	sadd.s32 @!p0 $0x100000, s1;
	[bflag:$0x2] =	sbarrier.arrive $0xFFFF  }
0x47: {  	[sflag:s0] =	ssyncadd.tile.s32 @!p0 $0x1;
	_ =	shalt  }
.Lfunc_end2:
_tile_overlayer_lowered:
.L_overlay_start_2:
0x48: {  	(tag) =	ssettag $0x2  }
0x49: {  	s0 =	rddreg [dreg:$0x0];
	s2 =	stileid.u32  }
0x4a: {  	s1 =	rddreg [dreg:$0x1];
	p0 =	sne.s32 s2, $0x0  }
0x4b: {  	s3 =	rddreg [dreg:$0x2];
	[bflag:$0x3] =	sbarrier.arrive $0xFFFF;
	s2 =	simm.s32 @!p0 $0x1C03  }
0x4c: {  	[timem:s3], [sflag:s2] =	dma.local @!p0 [hbm:s0], s1  }
0x4d: {  	s0 =	simm.s32 @!p0 $0x3  }
0x4e: {  	_ =	swait.ge @!p0 [sflag:s0], s1  }
0x4f: {  	s1 =	ssub.s32 @!p0 $0x0, s1;
	[sflag:s0] =	ssyncset.done @!p0 $0x0  }
0x50: {  	[sflag:s0] =	ssyncadd.s32 @!p0 s1  }
0x51: {  	[bflag:$0x3] =	sbarrier.arrive $0xFFFF  }
0x52: {  	_ =	shalt  }

</sc_bundles>
